<compile_context>
chip_gen: v7x
topology: tpu7x:2x2x1
jax: 0.10.2.dev20260603
libtpu: 0.0.44.dev20260713+nightly
codegen_flags: <defaults>
</compile_context>

<pallas_src>
import jax
import jax.numpy as jnp
from jax import lax
from jax.experimental import pallas as pl
from jax.experimental.pallas import tpu as pltpu
from jax.experimental.pallas import tpu_sc as plsc

EMBED = 64
EPS = 1e-5

_INFO = plsc.get_sparse_core_info()
NC = _INFO.num_cores
NS = _INFO.num_subcores
L = _INFO.num_lanes
NW = NC * NS

CHUNK = 512
NK = EMBED // L


def _rsqrt(x):
    i = plsc.bitcast(x, jnp.int32)
    i = jnp.int32(0x5F3759DF) - lax.shift_right_logical(i, 1)
    y = plsc.bitcast(i, jnp.float32)
    for _ in range(3):
        y = y * (1.5 - 0.5 * x * y * y)
    return y


def _ln_body(ids_hbm, table_hbm, gamma_hbm, beta_hbm, out_hbm,
             idx_v, rows_v, gb_v, sem):
    n_per_w = ids_hbm.shape[0] // NW
    wid = lax.axis_index("s") * NC + lax.axis_index("c")
    base_w = wid * n_per_w

    pltpu.sync_copy(gamma_hbm, gb_v.at[0])
    pltpu.sync_copy(beta_hbm, gb_v.at[1])
    gamma_k = [gb_v[0, pl.ds(k * L, L)] for k in range(NK)]
    beta_k = [gb_v[1, pl.ds(k * L, L)] for k in range(NK)]

    def chunk_body(n, _):
        base = base_w + n * CHUNK
        pltpu.sync_copy(ids_hbm.at[pl.ds(base, CHUNK)], idx_v)
        pltpu.async_copy(table_hbm.at[idx_v], rows_v, sem).wait()

        def row_body(r, _):
            x = [rows_v[r, pl.ds(k * L, L)] for k in range(NK)]
            s = x[0] + x[1] + x[2] + x[3]
            sq = x[0] * x[0] + x[1] * x[1] + x[2] * x[2] + x[3] * x[3]
            mean_s = jnp.sum(s) * (1.0 / EMBED)
            var_s = jnp.sum(sq) * (1.0 / EMBED) - mean_s * mean_s
            rstd = _rsqrt(jnp.full((L,), var_s + EPS, jnp.float32))
            m = jnp.full((L,), mean_s, jnp.float32)
            for k in range(NK):
                rows_v[r, pl.ds(k * L, L)] = (
                    (x[k] - m) * rstd * gamma_k[k] + beta_k[k]
                )
            return ()

        lax.fori_loop(0, CHUNK, row_body, (), unroll=False)
        pltpu.sync_copy(rows_v, out_hbm.at[pl.ds(base, CHUNK)])
        return ()

    lax.fori_loop(0, n_per_w // CHUNK, chunk_body, (), unroll=False)


def kernel(input_ids, table, gamma, beta):
    batch, seq = input_ids.shape
    n = batch * seq
    ids_flat = input_ids.reshape(n).astype(jnp.int32)

    mesh = plsc.VectorSubcoreMesh(core_axis_name="c", subcore_axis_name="s")
    run = pl.kernel(
        _ln_body,
        out_type=jax.ShapeDtypeStruct((n, EMBED), jnp.float32),
        mesh=mesh,
        scratch_types=[
            pltpu.VMEM((CHUNK,), jnp.int32),
            pltpu.VMEM((CHUNK, EMBED), jnp.float32),
            pltpu.VMEM((2, EMBED), jnp.float32),
            pltpu.SemaphoreType.DMA,
        ],
        compiler_params=pltpu.CompilerParams(
            needs_layout_passes=False, use_tc_tiling_on_sc=False
        ),
    )
    out = run(ids_flat, table, gamma, beta)
    return out.reshape(batch, seq, EMBED)

# --- scband reference (transcript-rebuilt; emitter-appended) ---
"""Pipeline reference for scband-token-embedding-3143916061418 (READ-ONLY COPY).

The authoritative reference and input builder live on the scoring server;
editing this copy changes nothing except your own understanding.
"""

import jax, jax.numpy as jnp
import numpy as np

VOCAB = 1000000
EMBED = 64
BATCH = 4096
SEQ = 200
EPS = 1e-5


def setup_inputs(seed: int = 0) -> dict:
    key = jax.random.key(seed)
    k_ids, k_tab = jax.random.split(key)
    input_ids = jax.random.randint(k_ids, (BATCH, SEQ), 0, VOCAB, dtype=jnp.int64 if jax.config.jax_enable_x64 else jnp.int32)
    table = jax.random.normal(k_tab, (VOCAB, EMBED), dtype=jnp.float32) * 0.02
    gamma = jnp.ones((EMBED,), dtype=jnp.float32)
    beta = jnp.zeros((EMBED,), dtype=jnp.float32)
    return {"input_ids": input_ids, "table": table, "gamma": gamma, "beta": beta}


def reference(input_ids, table, gamma, beta):
    # Embedding lookup (gather)
    embeds = jnp.take(table, input_ids, axis=0)  # [B, S, E]
    # LayerNorm over last dim (matches nn.LayerNorm(embed_dim), eps=1e-5)
    mean = jnp.mean(embeds, axis=-1, keepdims=True)
    var = jnp.mean(jnp.square(embeds - mean), axis=-1, keepdims=True)
    normed = (embeds - mean) / jnp.sqrt(var + EPS)
    out = normed * gamma + beta
    return out

if __name__ == "__main__":
    import jax
    _d = setup_inputs()
    print(jax.jit(kernel)(*tuple(_d.values())))

</pallas_src>

<mosaic_0001>
#map = affine_map<(d0, d1) -> (0)>
#map1 = affine_map<(d0, d1) -> (0, 0)>
module attributes {stable_mosaic.version = 14 : i64} {
  func.func @_ln_body(%arg0: i32, %arg1: i32, %arg2: memref<819200xi32, #tpu.memory_space<hbm>>, %arg3: memref<1000000x64xf32, #tpu.memory_space<hbm>>, %arg4: memref<64xf32, #tpu.memory_space<hbm>>, %arg5: memref<64xf32, #tpu.memory_space<hbm>>, %arg6: memref<819200x64xf32, #tpu.memory_space<hbm>>, %arg7: memref<512xi32, #tpu.memory_space<vmem>>, %arg8: memref<512x64xf32, #tpu.memory_space<vmem>>, %arg9: memref<2x64xf32, #tpu.memory_space<vmem>>, %arg10: memref<!tpu.dma_semaphore, #tpu.memory_space<semaphore_mem>>) attributes {dimension_semantics = [#tpu.dimension_semantics<core_parallel>, #tpu.dimension_semantics<subcore_parallel>], iteration_bounds = array<i64: 2, 16>, scalar_prefetch = 0 : i64, scratch_operands = 4 : i64, tpu.core_type = #tpu.core_type<sc_vector_subcore>, window_params = [{transform_indices = #map}, {transform_indices = #map1}, {transform_indices = #map}, {transform_indices = #map}, {transform_indices = #map1}]} {
    %mul3A = arith.constant 2 : i32
    %mul3A_0 = arith.muli %arg1, %mul3A : i32
    %add3A = arith.addi %mul3A_0, %arg0 : i32
    %mul3A_1 = arith.constant 25600 : i32
    %mul3A_2 = arith.muli %add3A, %mul3A_1 : i32
    %run_scoped3A = arith.constant 0 : i32
    "tpu.region"() ({
      %run_scoped3A_39 = tpu.sem_alloc : memref<!tpu.dma_semaphore, #tpu.memory_space<semaphore_mem>>
      %dma_start3A = arith.constant 0 : i32
      %dma_start3A_40 = tpu.memref_slice %arg9[%run_scoped3A, %dma_start3A] : memref<2x64xf32, #tpu.memory_space<vmem>> -> memref<1x64xf32, #tpu.memory_space<vmem>>
      %dma_start3A_41 = tpu.memref_squeeze %dma_start3A_40 : memref<1x64xf32, #tpu.memory_space<vmem>> -> memref<64xf32, #tpu.memory_space<vmem>>
      %dma_start3A_42 = arith.constant 0 : i32
      %dma_start3A_43 = tpu.memref_slice %arg9[%run_scoped3A, %dma_start3A_42] : memref<2x64xf32, #tpu.memory_space<vmem>> -> memref<1x64xf32, #tpu.memory_space<vmem>>
      %dma_start3A_44 = tpu.memref_squeeze %dma_start3A_43 : memref<1x64xf32, #tpu.memory_space<vmem>> -> memref<64xf32, #tpu.memory_space<vmem>>
      tpu.enqueue_dma source(%arg4 : memref<64xf32, #tpu.memory_space<hbm>>) target(%dma_start3A_44 : memref<64xf32, #tpu.memory_space<vmem>>) target_semaphore(%run_scoped3A_39 : memref<!tpu.dma_semaphore, #tpu.memory_space<semaphore_mem>>)
      %dma_wait3A = arith.constant 0 : i32
      %dma_wait3A_45 = tpu.memref_slice %arg9[%run_scoped3A, %dma_wait3A] : memref<2x64xf32, #tpu.memory_space<vmem>> -> memref<1x64xf32, #tpu.memory_space<vmem>>
      %dma_wait3A_46 = tpu.memref_squeeze %dma_wait3A_45 : memref<1x64xf32, #tpu.memory_space<vmem>> -> memref<64xf32, #tpu.memory_space<vmem>>
      %dma_wait3A_47 = arith.constant 0 : i32
      %dma_wait3A_48 = tpu.memref_slice %arg9[%run_scoped3A, %dma_wait3A_47] : memref<2x64xf32, #tpu.memory_space<vmem>> -> memref<1x64xf32, #tpu.memory_space<vmem>>
      %dma_wait3A_49 = tpu.memref_squeeze %dma_wait3A_48 : memref<1x64xf32, #tpu.memory_space<vmem>> -> memref<64xf32, #tpu.memory_space<vmem>>
      tpu.wait_dma2 semaphore(%run_scoped3A_39 : memref<!tpu.dma_semaphore, #tpu.memory_space<semaphore_mem>>) src(%arg4 : memref<64xf32, #tpu.memory_space<hbm>>) dst(%dma_wait3A_49 : memref<64xf32, #tpu.memory_space<vmem>>)
      tpu.yield
    }) : () -> ()
    %run_scoped3A_3 = arith.constant 1 : i32
    "tpu.region"() ({
      %run_scoped3A_39 = tpu.sem_alloc : memref<!tpu.dma_semaphore, #tpu.memory_space<semaphore_mem>>
      %dma_start3A = arith.constant 0 : i32
      %dma_start3A_40 = tpu.memref_slice %arg9[%run_scoped3A_3, %dma_start3A] : memref<2x64xf32, #tpu.memory_space<vmem>> -> memref<1x64xf32, #tpu.memory_space<vmem>>
      %dma_start3A_41 = tpu.memref_squeeze %dma_start3A_40 : memref<1x64xf32, #tpu.memory_space<vmem>> -> memref<64xf32, #tpu.memory_space<vmem>>
      %dma_start3A_42 = arith.constant 0 : i32
      %dma_start3A_43 = tpu.memref_slice %arg9[%run_scoped3A_3, %dma_start3A_42] : memref<2x64xf32, #tpu.memory_space<vmem>> -> memref<1x64xf32, #tpu.memory_space<vmem>>
      %dma_start3A_44 = tpu.memref_squeeze %dma_start3A_43 : memref<1x64xf32, #tpu.memory_space<vmem>> -> memref<64xf32, #tpu.memory_space<vmem>>
      tpu.enqueue_dma source(%arg5 : memref<64xf32, #tpu.memory_space<hbm>>) target(%dma_start3A_44 : memref<64xf32, #tpu.memory_space<vmem>>) target_semaphore(%run_scoped3A_39 : memref<!tpu.dma_semaphore, #tpu.memory_space<semaphore_mem>>)
      %dma_wait3A = arith.constant 0 : i32
      %dma_wait3A_45 = tpu.memref_slice %arg9[%run_scoped3A_3, %dma_wait3A] : memref<2x64xf32, #tpu.memory_space<vmem>> -> memref<1x64xf32, #tpu.memory_space<vmem>>
      %dma_wait3A_46 = tpu.memref_squeeze %dma_wait3A_45 : memref<1x64xf32, #tpu.memory_space<vmem>> -> memref<64xf32, #tpu.memory_space<vmem>>
      %dma_wait3A_47 = arith.constant 0 : i32
      %dma_wait3A_48 = tpu.memref_slice %arg9[%run_scoped3A_3, %dma_wait3A_47] : memref<2x64xf32, #tpu.memory_space<vmem>> -> memref<1x64xf32, #tpu.memory_space<vmem>>
      %dma_wait3A_49 = tpu.memref_squeeze %dma_wait3A_48 : memref<1x64xf32, #tpu.memory_space<vmem>> -> memref<64xf32, #tpu.memory_space<vmem>>
      tpu.wait_dma2 semaphore(%run_scoped3A_39 : memref<!tpu.dma_semaphore, #tpu.memory_space<semaphore_mem>>) src(%arg5 : memref<64xf32, #tpu.memory_space<hbm>>) dst(%dma_wait3A_49 : memref<64xf32, #tpu.memory_space<vmem>>)
      tpu.yield
    }) : () -> ()
    %get3A = arith.constant 0 : i32
    %get3A_4 = arith.index_cast %get3A : i32 to index
    %get3A_5 = arith.constant 0 : index
    %get3A_6 = tpu.vector_load %arg9[%get3A_4, %get3A_5] {strides = array<i32>} : memref<2x64xf32, #tpu.memory_space<vmem>>, vector<16xf32>,
    %get3A_7 = arith.constant 0 : i32
    %get3A_8 = arith.index_cast %get3A_7 : i32 to index
    %get3A_9 = arith.constant 16 : index
    %get3A_10 = tpu.vector_load %arg9[%get3A_8, %get3A_9] {strides = array<i32>} : memref<2x64xf32, #tpu.memory_space<vmem>>, vector<16xf32>,
    %get3A_11 = arith.constant 0 : i32
    %get3A_12 = arith.index_cast %get3A_11 : i32 to index
    %get3A_13 = arith.constant 32 : index
    %get3A_14 = tpu.vector_load %arg9[%get3A_12, %get3A_13] {strides = array<i32>} : memref<2x64xf32, #tpu.memory_space<vmem>>, vector<16xf32>,
    %get3A_15 = arith.constant 0 : i32
    %get3A_16 = arith.index_cast %get3A_15 : i32 to index
    %get3A_17 = arith.constant 48 : index
    %get3A_18 = tpu.vector_load %arg9[%get3A_16, %get3A_17] {strides = array<i32>} : memref<2x64xf32, #tpu.memory_space<vmem>>, vector<16xf32>,
    %get3A_19 = arith.constant 1 : i32
    %get3A_20 = arith.index_cast %get3A_19 : i32 to index
    %get3A_21 = arith.constant 0 : index
    %get3A_22 = tpu.vector_load %arg9[%get3A_20, %get3A_21] {strides = array<i32>} : memref<2x64xf32, #tpu.memory_space<vmem>>, vector<16xf32>,
    %get3A_23 = arith.constant 1 : i32
    %get3A_24 = arith.index_cast %get3A_23 : i32 to index
    %get3A_25 = arith.constant 16 : index
    %get3A_26 = tpu.vector_load %arg9[%get3A_24, %get3A_25] {strides = array<i32>} : memref<2x64xf32, #tpu.memory_space<vmem>>, vector<16xf32>,
    %get3A_27 = arith.constant 1 : i32
    %get3A_28 = arith.index_cast %get3A_27 : i32 to index
    %get3A_29 = arith.constant 32 : index
    %get3A_30 = tpu.vector_load %arg9[%get3A_28, %get3A_29] {strides = array<i32>} : memref<2x64xf32, #tpu.memory_space<vmem>>, vector<16xf32>,
    %get3A_31 = arith.constant 1 : i32
    %get3A_32 = arith.index_cast %get3A_31 : i32 to index
    %get3A_33 = arith.constant 48 : index
    %get3A_34 = tpu.vector_load %arg9[%get3A_32, %get3A_33] {strides = array<i32>} : memref<2x64xf32, #tpu.memory_space<vmem>>, vector<16xf32>,
    %scan3A = arith.constant 0 : i32
    %scan3A_35 = arith.constant 50 : i32
    %scan3A_36 = arith.addi %scan3A, %scan3A_35 : i32
    %scan3A_37 = arith.constant 1 : i32
    scf.for %scan3A_39 = %scan3A to %scan3A_36 step %scan3A_37  : i32 {
      %mul3A_40 = arith.constant 512 : i32
      %mul3A_41 = arith.muli %scan3A_39, %mul3A_40 : i32
      %add3A_42 = arith.addi %mul3A_2, %mul3A_41 : i32
      "tpu.region"() ({
        %run_scoped3A_52 = tpu.sem_alloc : memref<!tpu.dma_semaphore, #tpu.memory_space<semaphore_mem>>
        %dma_start3A_53 = tpu.memref_slice %arg2[%add3A_42] : memref<819200xi32, #tpu.memory_space<hbm>> -> memref<512xi32, #tpu.memory_space<hbm>>
        %dma_start3A_54 = tpu.memref_slice %arg2[%add3A_42] : memref<819200xi32, #tpu.memory_space<hbm>> -> memref<512xi32, #tpu.memory_space<hbm>>
        tpu.enqueue_dma source(%dma_start3A_54 : memref<512xi32, #tpu.memory_space<hbm>>) target(%arg7 : memref<512xi32, #tpu.memory_space<vmem>>) target_semaphore(%run_scoped3A_52 : memref<!tpu.dma_semaphore, #tpu.memory_space<semaphore_mem>>)
        %dma_wait3A_55 = tpu.memref_slice %arg2[%add3A_42] : memref<819200xi32, #tpu.memory_space<hbm>> -> memref<512xi32, #tpu.memory_space<hbm>>
        %dma_wait3A_56 = tpu.memref_slice %arg2[%add3A_42] : memref<819200xi32, #tpu.memory_space<hbm>> -> memref<512xi32, #tpu.memory_space<hbm>>
        tpu.wait_dma2 semaphore(%run_scoped3A_52 : memref<!tpu.dma_semaphore, #tpu.memory_space<semaphore_mem>>) src(%dma_wait3A_56 : memref<512xi32, #tpu.memory_space<hbm>>) dst(%arg7 : memref<512xi32, #tpu.memory_space<vmem>>)
        tpu.yield
      }) : () -> ()
      %dma_start3A = arith.constant 0 : i32
      %dma_start3A_43 = arith.constant 0 : i32
      %dma_start3A_44 = tpu.memref_slice %arg3[%dma_start3A, %dma_start3A_43] : memref<1000000x64xf32, #tpu.memory_space<hbm>> -> memref<1000000x64xf32, #tpu.memory_space<hbm>>
      tpu.enqueue_indirect_dma source(%dma_start3A_44 : memref<1000000x64xf32, #tpu.memory_space<hbm>>) target(%arg8 : memref<512x64xf32, #tpu.memory_space<vmem>>) offsets(%arg7 : memref<512xi32, #tpu.memory_space<vmem>>) semaphore(%arg10 : memref<!tpu.dma_semaphore, #tpu.memory_space<semaphore_mem>>)
      %dma_wait3A = arith.constant 0 : i32
      %dma_wait3A_45 = arith.constant 0 : i32
      %dma_wait3A_46 = tpu.memref_slice %arg3[%dma_wait3A, %dma_wait3A_45] : memref<1000000x64xf32, #tpu.memory_space<hbm>> -> memref<1000000x64xf32, #tpu.memory_space<hbm>>
      tpu.wait_indirect_dma semaphore(%arg10 : memref<!tpu.dma_semaphore, #tpu.memory_space<semaphore_mem>>) src(%dma_wait3A_46 : memref<1000000x64xf32, #tpu.memory_space<hbm>>) dst(%arg8 : memref<512x64xf32, #tpu.memory_space<vmem>>)
      %scan3A_47 = arith.constant 0 : i32
      %scan3A_48 = arith.constant 512 : i32
      %scan3A_49 = arith.addi %scan3A_47, %scan3A_48 : i32
      %scan3A_50 = arith.constant 1 : i32
      scf.for %scan3A_52 = %scan3A_47 to %scan3A_49 step %scan3A_50  : i32 {
        %get3A_53 = arith.index_cast %scan3A_52 : i32 to index
        %get3A_54 = arith.constant 0 : index
        %get3A_55 = tpu.vector_load %arg8[%get3A_53, %get3A_54] {strides = array<i32>} : memref<512x64xf32, #tpu.memory_space<vmem>>, vector<16xf32>,
        %get3A_56 = arith.index_cast %scan3A_52 : i32 to index
        %get3A_57 = arith.constant 16 : index
        %get3A_58 = tpu.vector_load %arg8[%get3A_56, %get3A_57] {strides = array<i32>} : memref<512x64xf32, #tpu.memory_space<vmem>>, vector<16xf32>,
        %get3A_59 = arith.index_cast %scan3A_52 : i32 to index
        %get3A_60 = arith.constant 32 : index
        %get3A_61 = tpu.vector_load %arg8[%get3A_59, %get3A_60] {strides = array<i32>} : memref<512x64xf32, #tpu.memory_space<vmem>>, vector<16xf32>,
        %get3A_62 = arith.index_cast %scan3A_52 : i32 to index
        %get3A_63 = arith.constant 48 : index
        %get3A_64 = tpu.vector_load %arg8[%get3A_62, %get3A_63] {strides = array<i32>} : memref<512x64xf32, #tpu.memory_space<vmem>>, vector<16xf32>,
        %add3A_65 = arith.addf %get3A_55, %get3A_58 : vector<16xf32>
        %add3A_66 = arith.addf %add3A_65, %get3A_61 : vector<16xf32>
        %add3A_67 = arith.addf %add3A_66, %get3A_64 : vector<16xf32>
        %mul3A_68 = arith.mulf %get3A_55, %get3A_55 : vector<16xf32>
        %mul3A_69 = arith.mulf %get3A_58, %get3A_58 : vector<16xf32>
        %add3A_70 = arith.addf %mul3A_68, %mul3A_69 : vector<16xf32>
        %mul3A_71 = arith.mulf %get3A_61, %get3A_61 : vector<16xf32>
        %add3A_72 = arith.addf %add3A_70, %mul3A_71 : vector<16xf32>
        %mul3A_73 = arith.mulf %get3A_64, %get3A_64 : vector<16xf32>
        %add3A_74 = arith.addf %add3A_72, %mul3A_73 : vector<16xf32>
        %reduce_sum3A = arith.constant true
        %reduce_sum3A_75 = vector.broadcast %reduce_sum3A : i1 to vector<16xi1>
        %reduce_sum3A_76 = tpu.scan <sum>, %add3A_67 masked %reduce_sum3A_75 : vector<16xf32>, vector<16xi1> -> vector<16xf32>
        %reduce_sum3A_77 = vector.extract %reduce_sum3A_76[15] : f32 from vector<16xf32>
        %mul3A_78 = arith.constant 1.562500e-02 : f32
        %mul3A_79 = arith.mulf %reduce_sum3A_77, %mul3A_78 : f32
        %reduce_sum3A_80 = arith.constant true
        %reduce_sum3A_81 = vector.broadcast %reduce_sum3A_80 : i1 to vector<16xi1>
        %reduce_sum3A_82 = tpu.scan <sum>, %add3A_74 masked %reduce_sum3A_81 : vector<16xf32>, vector<16xi1> -> vector<16xf32>
        %reduce_sum3A_83 = vector.extract %reduce_sum3A_82[15] : f32 from vector<16xf32>
        %mul3A_84 = arith.constant 1.562500e-02 : f32
        %mul3A_85 = arith.mulf %reduce_sum3A_83, %mul3A_84 : f32
        %mul3A_86 = arith.mulf %mul3A_79, %mul3A_79 : f32
        %sub3A = arith.subf %mul3A_85, %mul3A_86 : f32
        %add3A_87 = arith.constant 9.99999974E-6 : f32
        %add3A_88 = arith.addf %sub3A, %add3A_87 : f32
        %broadcast_in_dim3A = vector.broadcast %add3A_88 : f32 to vector<16xf32>
        %bitcast3A = vector.bitcast %broadcast_in_dim3A : vector<16xf32> to vector<16xi32>
        %shift_right_logical3A = arith.constant 1 : i32
        %shift_right_logical3A_89 = vector.broadcast %shift_right_logical3A : i32 to vector<16xi32>
        %shift_right_logical3A_90 = arith.shrui %bitcast3A, %shift_right_logical3A_89 : vector<16xi32>
        %sub3A_91 = arith.constant 1597463007 : i32
        %sub3A_92 = vector.broadcast %sub3A_91 : i32 to vector<16xi32>
        %sub3A_93 = arith.subi %sub3A_92, %shift_right_logical3A_90 : vector<16xi32>
        %bitcast3A_94 = vector.bitcast %sub3A_93 : vector<16xi32> to vector<16xf32>
        %mul3A_95 = arith.constant 5.000000e-01 : f32
        %mul3A_96 = vector.broadcast %mul3A_95 : f32 to vector<16xf32>
        %mul3A_97 = arith.mulf %mul3A_96, %broadcast_in_dim3A : vector<16xf32>
        %mul3A_98 = arith.mulf %mul3A_97, %bitcast3A_94 : vector<16xf32>
        %mul3A_99 = arith.mulf %mul3A_98, %bitcast3A_94 : vector<16xf32>
        %sub3A_100 = arith.constant 1.500000e+00 : f32
        %sub3A_101 = vector.broadcast %sub3A_100 : f32 to vector<16xf32>
        %sub3A_102 = arith.subf %sub3A_101, %mul3A_99 : vector<16xf32>
        %mul3A_103 = arith.mulf %bitcast3A_94, %sub3A_102 : vector<16xf32>
        %mul3A_104 = arith.constant 5.000000e-01 : f32
        %mul3A_105 = vector.broadcast %mul3A_104 : f32 to vector<16xf32>
        %mul3A_106 = arith.mulf %mul3A_105, %broadcast_in_dim3A : vector<16xf32>
        %mul3A_107 = arith.mulf %mul3A_106, %mul3A_103 : vector<16xf32>
        %mul3A_108 = arith.mulf %mul3A_107, %mul3A_103 : vector<16xf32>
        %sub3A_109 = arith.constant 1.500000e+00 : f32
        %sub3A_110 = vector.broadcast %sub3A_109 : f32 to vector<16xf32>
        %sub3A_111 = arith.subf %sub3A_110, %mul3A_108 : vector<16xf32>
        %mul3A_112 = arith.mulf %mul3A_103, %sub3A_111 : vector<16xf32>
        %mul3A_113 = arith.constant 5.000000e-01 : f32
        %mul3A_114 = vector.broadcast %mul3A_113 : f32 to vector<16xf32>
        %mul3A_115 = arith.mulf %mul3A_114, %broadcast_in_dim3A : vector<16xf32>
        %mul3A_116 = arith.mulf %mul3A_115, %mul3A_112 : vector<16xf32>
        %mul3A_117 = arith.mulf %mul3A_116, %mul3A_112 : vector<16xf32>
        %sub3A_118 = arith.constant 1.500000e+00 : f32
        %sub3A_119 = vector.broadcast %sub3A_118 : f32 to vector<16xf32>
        %sub3A_120 = arith.subf %sub3A_119, %mul3A_117 : vector<16xf32>
        %mul3A_121 = arith.mulf %mul3A_112, %sub3A_120 : vector<16xf32>
        %broadcast_in_dim3A_122 = vector.broadcast %mul3A_79 : f32 to vector<16xf32>
        %sub3A_123 = arith.subf %get3A_55, %broadcast_in_dim3A_122 : vector<16xf32>
        %mul3A_124 = arith.mulf %sub3A_123, %mul3A_121 : vector<16xf32>
        %mul3A_125 = arith.mulf %mul3A_124, %get3A_6 : vector<16xf32>
        %add3A_126 = arith.addf %mul3A_125, %get3A_22 : vector<16xf32>
        %swap3A = arith.index_cast %scan3A_52 : i32 to index
        %swap3A_127 = arith.constant 0 : index
        %swap3A_128 = tpu.vector_load %arg8[%swap3A, %swap3A_127] {strides = array<i32>} : memref<512x64xf32, #tpu.memory_space<vmem>>, vector<16xf32>,
        tpu.vector_store %arg8[%swap3A, %swap3A_127], %add3A_126 {strides = array<i32>} : memref<512x64xf32, #tpu.memory_space<vmem>>, vector<16xf32>,
        %sub3A_129 = arith.subf %get3A_58, %broadcast_in_dim3A_122 : vector<16xf32>
        %mul3A_130 = arith.mulf %sub3A_129, %mul3A_121 : vector<16xf32>
        %mul3A_131 = arith.mulf %mul3A_130, %get3A_10 : vector<16xf32>
        %add3A_132 = arith.addf %mul3A_131, %get3A_26 : vector<16xf32>
        %swap3A_133 = arith.index_cast %scan3A_52 : i32 to index
        %swap3A_134 = arith.constant 16 : index
        %swap3A_135 = tpu.vector_load %arg8[%swap3A_133, %swap3A_134] {strides = array<i32>} : memref<512x64xf32, #tpu.memory_space<vmem>>, vector<16xf32>,
        tpu.vector_store %arg8[%swap3A_133, %swap3A_134], %add3A_132 {strides = array<i32>} : memref<512x64xf32, #tpu.memory_space<vmem>>, vector<16xf32>,
        %sub3A_136 = arith.subf %get3A_61, %broadcast_in_dim3A_122 : vector<16xf32>
        %mul3A_137 = arith.mulf %sub3A_136, %mul3A_121 : vector<16xf32>
        %mul3A_138 = arith.mulf %mul3A_137, %get3A_14 : vector<16xf32>
        %add3A_139 = arith.addf %mul3A_138, %get3A_30 : vector<16xf32>
        %swap3A_140 = arith.index_cast %scan3A_52 : i32 to index
        %swap3A_141 = arith.constant 32 : index
        %swap3A_142 = tpu.vector_load %arg8[%swap3A_140, %swap3A_141] {strides = array<i32>} : memref<512x64xf32, #tpu.memory_space<vmem>>, vector<16xf32>,
        tpu.vector_store %arg8[%swap3A_140, %swap3A_141], %add3A_139 {strides = array<i32>} : memref<512x64xf32, #tpu.memory_space<vmem>>, vector<16xf32>,
        %sub3A_143 = arith.subf %get3A_64, %broadcast_in_dim3A_122 : vector<16xf32>
        %mul3A_144 = arith.mulf %sub3A_143, %mul3A_121 : vector<16xf32>
        %mul3A_145 = arith.mulf %mul3A_144, %get3A_18 : vector<16xf32>
        %add3A_146 = arith.addf %mul3A_145, %get3A_34 : vector<16xf32>
        %swap3A_147 = arith.index_cast %scan3A_52 : i32 to index
        %swap3A_148 = arith.constant 48 : index
        %swap3A_149 = tpu.vector_load %arg8[%swap3A_147, %swap3A_148] {strides = array<i32>} : memref<512x64xf32, #tpu.memory_space<vmem>>, vector<16xf32>,
        tpu.vector_store %arg8[%swap3A_147, %swap3A_148], %add3A_146 {strides = array<i32>} : memref<512x64xf32, #tpu.memory_space<vmem>>, vector<16xf32>,
      }
      %scan3A_51 = arith.constant 512 : i32
      "tpu.region"() ({
        %run_scoped3A_52 = tpu.sem_alloc : memref<!tpu.dma_semaphore, #tpu.memory_space<semaphore_mem>>
        %dma_start3A_53 = arith.constant 0 : i32
        %dma_start3A_54 = tpu.memref_slice %arg6[%add3A_42, %dma_start3A_53] : memref<819200x64xf32, #tpu.memory_space<hbm>> -> memref<512x64xf32, #tpu.memory_space<hbm>>
        %dma_start3A_55 = arith.constant 0 : i32
        %dma_start3A_56 = tpu.memref_slice %arg6[%add3A_42, %dma_start3A_55] : memref<819200x64xf32, #tpu.memory_space<hbm>> -> memref<512x64xf32, #tpu.memory_space<hbm>>
        tpu.enqueue_dma source(%arg8 : memref<512x64xf32, #tpu.memory_space<vmem>>) target(%dma_start3A_56 : memref<512x64xf32, #tpu.memory_space<hbm>>) target_semaphore(%run_scoped3A_52 : memref<!tpu.dma_semaphore, #tpu.memory_space<semaphore_mem>>)
        %dma_wait3A_57 = arith.constant 0 : i32
        %dma_wait3A_58 = tpu.memref_slice %arg6[%add3A_42, %dma_wait3A_57] : memref<819200x64xf32, #tpu.memory_space<hbm>> -> memref<512x64xf32, #tpu.memory_space<hbm>>
        %dma_wait3A_59 = arith.constant 0 : i32
        %dma_wait3A_60 = tpu.memref_slice %arg6[%add3A_42, %dma_wait3A_59] : memref<819200x64xf32, #tpu.memory_space<hbm>> -> memref<512x64xf32, #tpu.memory_space<hbm>>
        tpu.wait_dma2 semaphore(%run_scoped3A_52 : memref<!tpu.dma_semaphore, #tpu.memory_space<semaphore_mem>>) src(%arg8 : memref<512x64xf32, #tpu.memory_space<vmem>>) dst(%dma_wait3A_60 : memref<512x64xf32, #tpu.memory_space<hbm>>)
        tpu.yield
      }) : () -> ()
    }
    %scan3A_38 = arith.constant 50 : i32
    return
  }
}

</mosaic_0001>

<sc_bundles>
// kernel: kernel.3.cloned.1.call-start
scs
__scs_entry_jumppad:
0x0: {  	(pc) =	sbr.rel $0x88, $3  }
0x1: {  	(tag) =	ssettag $0x0;
	lr =	simm.s32 $0x1  }
0x2: {  	[smem:$0x3F9D] =	sst lr;
	_ =	strace $0xD0000000  }
0x3: {  	_ = 	snop  }
0x4: {  	_ = 	snop  }
0x5: {  	_ = 	snop  }
0x6: {  	_ = 	snop  }
0x7: {  	_ = 	snop  }
__scs_overlays_trampoline_lowered:
0x8: {  	[smem:$0x3FAC] =	sst s0  }
0x9: {  	[smem:$0x3FAD] =	sst s1  }
0xa: {  	[smem:$0x3FAE] =	sst s2  }
0xb: {  	[smem:$0x3FAF] =	sst s3  }
0xc: {  	[smem:$0x3FB0] =	sst s4  }
0xd: {  	[smem:$0x3FB1] =	sst s5  }
0xe: {  	[smem:$0x3FB2] =	sst s6  }
0xf: {  	[smem:$0x3FB3] =	sst s7  }
0x10: {  	[smem:$0x3FB4] =	sst s8  }
0x11: {  	[smem:$0x3FB5] =	sst s9;
	s0 =	simm.s32 @!p0 $0x0  }
0x12: {  	s1 =	sld [smem:$0x3F9B];
	s0 =	simm.s32 @p0 $0x1  }
0x13: {  	[smem:$0x3FB6] =	sst s0;
	s0 =	simm.s32 @!p1 $0x0  }
0x14: {  	s2 =	sld [smem:$0x3F9A];
	s0 =	simm.s32 @p1 $0x1  }
0x15: {  	[smem:$0x3FB7] =	sst s0;
	s0 =	simm.s32 @!p2 $0x0  }
0x16: {  	s3 =	sld [smem:$0x3FDB];
	s0 =	simm.s32 @p2 $0x1  }
0x17: {  	s4 =	simm.s32 $0x1BF5;
	[smem:$0x3FB9] =	sst s0  }
0x18: {  	s0 =	sld [smem:$0x3F9C];
	_ =	swait.ge [sflag:s4], $0x0  }
0x19: {  	s7 =	sld [smem:$0x3F9D]  }
0x1a: {  	s8 =	sadd.s32 $0xFFFFE003, lr  }
0x1b: {  	s9 =	sadd.s32 $0xFFFFFEF7, lr;
	s5 =	simm.s32 $0xFFFFFFFF;
	p2 =	slt.u32 s8, $0xFFFFF086  }
0x1c: {  	p1 =	slt.u32 s9, $0xF7A;
	s5 =	simm.s32 @!p2 $0x0  }
0x1d: {  	s5 =	simm.s32 @p1 $0x1;
	p0 =	seq.s32 s7, s2  }
0x1e: {  	s7 =	smul.u32 @!p0 $0xF7A, s2;
	p2 =	seq.s32 @!p0 s5, $0x0  }
0x1f: {  	s9 =	smul.u32 $0xF7A, s1;
	s8 =	simm.s32 @!p0 $0x1BF5;
	p2 =	por !p2, p0  }
0x20: {  	[sflag:s8] =	ssyncset.s32 @!p0 $0xFFFFF086;
	s6 =	sadd.s32 @!p0 s3, s7;
	s7 =	simm.s32 @!p0 $0x108  }
0x21: {  	s3 =	sadd.s32 s3, s9;
	s6 =	sadd.s32 @!p0 $0x88, s6;
	s7 =	simm.s32 @p2 $0x1082  }
0x22: {  	[simem:s7], [sflag:s8] =	dma.local @!p0 [hbm:s6], $0xF7A  }
0x23: {  	s9 =	sor.u32 $0xD0000000, s2;
	s6 =	simm.s32 $0x108;
	_ =	swait.ge @!p0 [sflag:s8], $0x0  }
0x24: {  	s3 =	sadd.s32 $0x88, s3;
	s6 =	simm.s32 @!p1 $0x1082;
	[sflag:s4] =	ssyncset.s32 $0xFFFFF086  }
0x25: {  	[simem:s6], [sflag:s4] =	dma.local [hbm:s3], $0xF7A  }
0x26: {  	[smem:$0x3F9D] =	sst s1;
	(tag) =	ssettag s2;
	_ =	strace s9  }
0x27: {  	s1 =	sld [smem:$0x3FAD]  }
0x28: {  	s2 =	sld [smem:$0x3FAE]  }
0x29: {  	s4 =	sld [smem:$0x3FB0]  }
0x2a: {  	p0 =	seq.s32 s5, $0x0;
	s5 =	sld [smem:$0x3FB1]  }
0x2b: {  	s6 =	sld [smem:$0x3FB2]  }
0x2c: {  	s7 =	sld [smem:$0x3FB3]  }
0x2d: {  	s3 =	simm.s32 $0x108;
	s8 =	sld [smem:$0x3FB4]  }
0x2e: {  	s3 =	simm.s32 @!p0 $0x1082;
	s9 =	sld [smem:$0x3FB5]  }
0x2f: {  	lr =	sadd.s32 s0, s3;
	s0 =	sld [smem:$0x3FAC]  }
0x30: {  	s3 =	sld [smem:$0x3FAF]  }
0x31: {  	[smem:$0x3FB8] =	sst s10  }
0x32: {  	s10 =	sld [smem:$0x3FB6];
	_ =	sdelay $0x3  }
0x33: {  	p0 =	seq.s32 s10, $0x1;
	s10 =	sld [smem:$0x3FB8];
	_ =	sdelay $0x3  }
0x34: {  	[smem:$0x3FB8] =	sst s10  }
0x35: {  	s10 =	sld [smem:$0x3FB7];
	_ =	sdelay $0x3  }
0x36: {  	p1 =	seq.s32 s10, $0x1;
	s10 =	sld [smem:$0x3FB8];
	_ =	sdelay $0x3  }
0x37: {  	[smem:$0x3FB8] =	sst s10  }
0x38: {  	s10 =	sld [smem:$0x3FB9]  }
0x39: {  	_ = 	snop;
	(pc) =	sbr.ind lr, $3  }
0x3a: {  	_ = 	snop  }
0x3b: {  	_ = 	snop  }
0x3c: {  	p2 =	seq.s32 s10, $0x1;
	s10 =	sld [smem:$0x3FB8]  }
0x3d: {  	_ =	shalt  }
0x3e: {  	_ =	shalt  }
0x3f: {  	_ =	shalt  }
0x40: {  	_ =	shalt  }
0x41: {  	_ =	shalt  }
0x42: {  	_ =	shalt  }
0x43: {  	_ =	shalt  }
0x44: {  	_ =	shalt  }
0x45: {  	_ =	shalt  }
0x46: {  	_ =	shalt  }
0x47: {  	_ =	shalt  }
0x48: {  	_ =	shalt  }
0x49: {  	_ =	shalt  }
0x4a: {  	_ =	shalt  }
0x4b: {  	_ =	shalt  }
0x4c: {  	_ =	shalt  }
0x4d: {  	_ =	shalt  }
0x4e: {  	_ =	shalt  }
0x4f: {  	_ =	shalt  }
0x50: {  	_ =	shalt  }
0x51: {  	_ =	shalt  }
0x52: {  	_ =	shalt  }
0x53: {  	_ =	shalt  }
0x54: {  	_ =	shalt  }
0x55: {  	_ =	shalt  }
0x56: {  	_ =	shalt  }
0x57: {  	_ =	shalt  }
0x58: {  	_ =	shalt  }
0x59: {  	_ =	shalt  }
0x5a: {  	_ =	shalt  }
0x5b: {  	_ =	shalt  }
0x5c: {  	_ =	shalt  }
0x5d: {  	_ =	shalt  }
0x5e: {  	_ =	shalt  }
0x5f: {  	_ =	shalt  }
0x60: {  	_ =	shalt  }
0x61: {  	_ =	shalt  }
0x62: {  	_ =	shalt  }
0x63: {  	_ =	shalt  }
0x64: {  	_ =	shalt  }
0x65: {  	_ =	shalt  }
0x66: {  	_ =	shalt  }
0x67: {  	_ =	shalt  }
0x68: {  	_ =	shalt  }
0x69: {  	_ =	shalt  }
0x6a: {  	_ =	shalt  }
0x6b: {  	_ =	shalt  }
0x6c: {  	_ =	shalt  }
0x6d: {  	_ =	shalt  }
0x6e: {  	_ =	shalt  }
0x6f: {  	_ =	shalt  }
0x70: {  	_ =	shalt  }
0x71: {  	_ =	shalt  }
0x72: {  	_ =	shalt  }
0x73: {  	_ =	shalt  }
0x74: {  	_ =	shalt  }
0x75: {  	_ =	shalt  }
0x76: {  	_ =	shalt  }
0x77: {  	_ =	shalt  }
0x78: {  	_ =	shalt  }
0x79: {  	_ =	shalt  }
0x7a: {  	_ =	shalt  }
0x7b: {  	_ =	shalt  }
0x7c: {  	_ =	shalt  }
0x7d: {  	_ =	shalt  }
0x7e: {  	_ =	shalt  }
0x7f: {  	_ =	shalt  }
0x80: {  	_ =	shalt  }
0x81: {  	_ =	shalt  }
0x82: {  	_ =	shalt  }
0x83: {  	_ =	shalt  }
0x84: {  	_ =	shalt  }
0x85: {  	_ =	shalt  }
0x86: {  	_ =	shalt  }
0x87: {  	_ =	shalt  }
.Lfunc_end0:
.L_simem_size_0:
called_computation.1_lowered:
.L_overlay_start_0:
0x88: {  	s2 =	sld [smem:$0x3FD9]  }
0x89: {  	s3 =	sld [smem:$0x3FFE];
	_ =	sdelay $0x1  }
0x8a: {  	s1 =	srdreg.scid  }
0x8b: {  	s0 =	sand.u32 $0x1, s1  }
0x8c: {  	s17 =	sshll.u32 s0, $0xA;
	s2 =	sadd.s32 s3, s2  }
0x8d: {  	s2 =	sadd.s32 s2, s17  }
0x8e: {  	[smem:$0x3FC4] =	sst s2  }
0x8f: {  	_ = 	snop  }
0x90: {  	s2 =	sld [smem:$0x3FC7]  }
0x91: {  	s18 =	sld [smem:$0x3FC6]  }
0x92: {  	s4 =	sld [smem:$0x3FD0];
	(tm) =	ssettm $0x1  }
0x93: {  	s5 =	sld [smem:$0x3FFB];
	_ =	sdelay $0x3  }
0x94: {  	_ =	strace s5  }
0x95: {  	s5 =	sld [smem:$0x3FFC];
	_ =	sdelay $0x3  }
0x96: {  	_ =	strace s5  }
0x97: {  	s5 =	sld [smem:$0x3FFD];
	_ =	sdelay $0x3  }
0x98: {  	_ =	strace s5  }
0x99: {  	_ =	strace $0x8FFFFFFF  }
0x9a: {  	s19 =	sld [smem:$0x3FDB];
	_ =	sdelay $0x1  }
0x9b: {  	s6 =	simm.s32 $_scs_section_size  }
0x9c: {  	s7 =	simm.s32 $_size__tile_overlayer_lowered;
	s8 =	simm.s32 $_tile_overlayer_lowered  }
0x9d: {  	s22 =	simm.s32 $0x1BFF;
	s21 =	sshll.u32 s8, $0x1;
	s5 =	sadd.s32 s6, s19  }
0x9e: {  	s9 =	simm.s32 $0x0;
	s20 =	sshll.u32 s7, $0x1;
	s7 =	sadd.s32 s21, s5  }
0x9f: {  	[timem:s9], [sflag:s22] =	dma.local [hbm:s7], s20  }
0xa0: {  	_ =	swait.ge [sflag:s22], s20  }
0xa1: {  	s6 =	ssub.s32 $0x0, s20;
	[sflag:s22] =	ssyncset.done $0x0  }
0xa2: {  	[sflag:s22] =	ssyncadd.s32 s6;
	_ =	sdelay $0x1  }
0xa3: {  	s23 =	simm.s32 $0x1B8B  }
0xa4: {  	_ =	swait.ge [sflag:s23], $0x1  }
0xa5: {  	[sflag:s23] =	ssyncset.done $0x0  }
0xa6: {  	s25 =	simm.s32 $0x1B8E;
	s24 =	sld [smem:$0x3FFE];
	[sflag:s23] =	ssyncadd.s32 $0xFFFFFFFF  }
0xa7: {  	s26 =	simm.s32 $execute0_lowered;
	[smem:$0x3FD2] =	sst s25  }
0xa8: {  	s7 =	sshll.u32 s26, $0x1;
	_ =	strace $0x80000046;
	[dreg:$0x1] =	wrdreg $0xFFFFFFFF  }
0xa9: {  	s28 =	simm.s32 $_size_execute0_lowered;
	s5 =	sadd.s32 s5, s7;
	[dreg:$0x0] =	wrdreg $0x0  }
0xaa: {  	s7 =	sshll.u32 s28, $0x1;
	[dreg:$0x2] =	wrdreg s5  }
0xab: {  	[dreg:$0x3] =	wrdreg s7  }
0xac: {  	[dreg:$0x4] =	wrdreg $0xC0  }
0xad: {  	_ =	task [dreg:s9], $0x5FFFF  }
0xae: {  	[dreg:$0x1] =	wrdreg $0xFFFFFFFF  }
0xaf: {  	[dreg:$0x0] =	wrdreg $0x60  }
0xb0: {  	[dreg:$0x2] =	wrdreg s24  }
0xb1: {  	[dreg:$0x3] =	wrdreg s2  }
0xb2: {  	[dreg:$0x4] =	wrdreg s18  }
0xb3: {  	[dreg:$0x5] =	wrdreg s4  }
0xb4: {  	[dreg:$0x6] =	wrdreg $0x9  }
0xb5: {  	_ =	task.clear_ibuf [dreg:s9], $0x7FFFF;
	_ =	strace $0x90000046  }
0xb6: {  	s29 =	simm.s32 $0x9;
	_ =	strace $0x80000048  }
0xb7: {  	_ =	swait.ge [sflag:s29], $0x1  }
0xb8: {  	[sflag:s29] =	ssyncadd.s32 $0xFFFFFFFF  }
0xb9: {  	_ =	strace $0x90000048  }
0xba: {  	_ =	sfence  }
0xbb: {  	s30 =	sld [smem:$0x0];
	_ =	sdelay $0x2  }
0xbc: {  	s31 =	sshll.u32 s1, $0xD;
	s1 =	sshrl.u32 s1, $0x2  }
0xbd: {  	s3 =	sand.u32 $0x4000, s31;
	s1 =	sadd.s32 s1, s30  }
0xbe: {  	s0 =	sor.u32 s3, s0;
	s1 =	sshll.u32 s1, $0x11  }
0xbf: {  	s0 =	sor.u32 s1, s0  }
0xc0: {  	s0 =	sadd.s32 $0x8F2B, s0  }
0xc1: {  	[sflag:s0] =	ssyncadd.remote.s32 $0x1  }
0xc2: {  	_ =	sfence.sel $0xFFFF  }
0xc3: {  	[dreg:$0x0] =	wrdreg $0xFFFFFFFF;
	(pc) =	sbr.abs _section_cstart, $3  }
0xc4: {  	[dreg:$0x1] =	wrdreg $0xFFFFFFFF  }
0xc5: {  	_ =	task.clear_ibuf [dreg:s9], $0x2FFFF;
	_ =	strace $0x9FFFFFFF  }
0xc6: {  	(tm) =	ssettm $0x7FFFFFFF  }
0xc7: {  	_ =	shalt  }
tec
execute0_lowered:
.L_overlay_start_1:
0x0: {  	(tag) =	ssettag $0x1  }
0x1: {  	s7 =	rddreg [dreg:$0x0]  }
0x2: {  	s1 =	rddreg [dreg:$0x1]  }
0x3: {  	s2 =	rddreg [dreg:$0x2]  }
0x4: {  	s3 =	rddreg [dreg:$0x3];
	s4 =	srdreg.scid  }
0x5: {  	s0 =	rddreg [dreg:$0x4];
	s5 =	simm.s32 $0x0;
	s12 =	simm.s32 $0x8240  }
0x6: {  	s13 =	simm.s32 $0x200;
	s14 =	simm.s32 $0x1;
	s15 =	simm.s32 $0x0  }
0x7: {  	s8 =	sand.u32 $0x1, s4;
	[smem:$0x7FF] =	sst s5;
	s4 =	stileid.u32  }
0x8: {  	s6 =	sadd.s32 $0xA00, s7;
	s7 =	sadd.s32 $0xF42E00, s7;
	s9 =	ssub.s32 $0x2, s8  }
0x9: {  	_ =	strace $0x80000047;
	s11 =	sshll.u32 s4, $0x1;
	s10 =	sshrl.u32 s9, $0x1  }
0xa: {  	s8 =	sor.u32 s8, s11;
	s11 =	simm.s32 $0x2;
	s9 =	ssub.s32 s9, s10  }
0xb: {  	s8 =	smul.u32 $0x6400, s8;
	s10 =	simm.s32 $0x8200;
	s9 =	smax.u32 s9, $0x1  }
.LBB2_1:
0xc: {  	[tilespmem:s10], [sflag:$0x2] =	stream.linear.gather [hbm4b:s1+s5], $0x40, $0x38;
	[tilespmem:$0x8280] =	vst v63  }
0xd: {  	_ =	swait.ge [sflag:s11], $0x40  }
0xe: {  	[sflag:s11] =	ssyncset.done $0x0  }
0xf: {  	[sflag:s11] =	ssyncadd.s32 $0xFFFFFFC0  }
0x10: {  	[tilespmem:s12], [sflag:$0x2] =	stream.linear.gather [hbm4b:s2+s5], $0x40, $0x38;
	[tilespmem:$0x8280] =	vst v63  }
0x11: {  	_ =	swait.ge [sflag:s11], $0x40  }
0x12: {  	[sflag:s11] =	ssyncset.done $0x0  }
0x13: {  	[sflag:s11] =	ssyncadd.s32 $0xFFFFFFC0  }
0x14: {  	v0 =	vld [tilespmem:$0x8200]  }
0x15: {  	v4 =	vld [tilespmem:$0x8240]  }
0x16: {  	v5 =	vld [tilespmem:$0x8250]  }
0x17: {  	v7 =	vld [tilespmem:$0x8270]  }
0x18: {  	v6 =	vld [tilespmem:$0x8260]  }
0x19: {  	v1 =	vld [tilespmem:$0x8210]  }
0x1a: {  	v2 =	vld [tilespmem:$0x8220]  }
0x1b: {  	s16 =	simm.s32 $0x0;
	v3 =	vld [tilespmem:$0x8230]  }
.LBB2_2:
0x1c: {  	s17 =	sshll.u32 s16, $0x9  }
0x1d: {  	s17 =	sadd.s32 s8, s17  }
0x1e: {  	s18 =	sshrl.u32 s17, $0x3  }
0x1f: {  	s19 =	simm.s32 $0x0;
	s18 =	sadd.s32 s6, s18  }
0x20: {  	[tilespmem:s19], [sflag:$0x2] =	stream.linear.gather [hbm4b:s18+s19], $0x200, $0x38;
	[tilespmem:$0x8280] =	vst v63  }
0x21: {  	_ =	swait.ge [sflag:s11], $0x200  }
0x22: {  	[sflag:s11] =	ssyncset.done $0x0  }
0x23: {  	[sflag:s11] =	ssyncadd.s32 $0xFFFFFE00  }
0x24: {  	[tilespmem:s13], [sflag:$0x1] =	stream.indirect.gather [hbm4b:s7+s13], $0x40, s19, s13, $0xb8;
	[tilespmem:$0x8280] =	vst v63  }
0x25: {  	_ =	swait.ge [sflag:s14], $0x8000  }
0x26: {  	[sflag:s14] =	ssyncset.done $0x0  }
0x27: {  	s18 =	simm.s32 $0x0;
	[sflag:s14] =	ssyncadd.s32 $0xFFFF8000  }
0x28: {  	v8 =	vld [tilespmem:s18+$0x200]  }
0x29: {  	v9 =	vld [tilespmem:s18+$0x210];
	_ =	sdelay $0x1  }
0x2a: {  	v10 =	vld [tilespmem:s18+$0x220];
	_ =	sdelay $0x1  }
0x2b: {  	v11 =	vld [tilespmem:s18+$0x230]  }
0x2c: {  	v12 =	vadd.f32 v9, v8  }
0x2d: {  	v13 =	vmul.f32 v8, v8;
	v14 =	vmul.f32 v9, v9  }
0x2e: {  	v12 =	vadd.f32 v10, v12  }
0x2f: {  	v15 =	vmul.f32 v10, v10;
	v13 =	vadd.f32 v14, v13  }
0x30: {  	v12 =	vadd.f32 v11, v12  }
0x31: {  	v56 =	vmul.f32 v11, v11;
	v13 =	vadd.f32 v15, v13  }
0x32: {  	(xrf2) =	vadd.scan.msk.f32 $0xffff, v12  }
0x33: {  	v57 =	vadd.f32 v56, v13;
	_ =	sdelay $0x1  }
0x34: {  	(xrf2) =	vadd.scan.msk.f32 $0xffff, v57;
	_ =	sdelay $0x6  }
0x35: {  	v58, _, _ =	vpop (xrf2)  }
0x36: {  	(v2sf) =	vpush v58, $0xF;
	_ =	sdelay $0x1  }
0x37: {  	v59, _, _ =	vpop (xrf2)  }
0x38: {  	(v2sf) =	vpush v59, $0xF;
	_ =	sdelay $0xb  }
0x39: {  	s31 =	spop (v2sf)  }
0x3a: {  	s19 =	smul.f32 $1.562500000e-02, s31;
	_ =	sdelay $0x1  }
0x3b: {  	s21 =	spop (v2sf);
	s20 =	smul.f32 s19, s19  }
0x3c: {  	s21 =	smul.f32 $1.562500000e-02, s21;
	_ =	sdelay $0x1  }
0x3d: {  	s20 =	ssub.f32 s21, s20;
	_ =	sdelay $0x1  }
0x3e: {  	s20 =	sadd.f32 $9.999999740e-06, s20;
	_ =	sdelay $0x1  }
0x3f: {  	v60 =	vmov s20  }
0x40: {  	v61 =	vshrl.u32 v60, $0x1;
	v12 =	vmul.f32 $5.000000000e-01, v60  }
0x41: {  	v13 =	vsub.s32 $0x5F3759DF, v61  }
0x42: {  	v62 =	vmul.f32 v13, v12;
	_ =	sdelay $0x1  }
0x43: {  	v14 =	vmul.f32 v13, v62;
	_ =	sdelay $0x1  }
0x44: {  	v14 =	vsub.f32 $1.500000000e+00, v14;
	_ =	sdelay $0x1  }
0x45: {  	v13 =	vmul.f32 v13, v14;
	_ =	sdelay $0x1  }
0x46: {  	v14 =	vmul.f32 v13, v12;
	_ =	sdelay $0x1  }
0x47: {  	v14 =	vmul.f32 v14, v13;
	_ =	sdelay $0x1  }
0x48: {  	v14 =	vsub.f32 $1.500000000e+00, v14;
	_ =	sdelay $0x1  }
0x49: {  	v13 =	vmul.f32 v14, v13;
	_ =	sdelay $0x1  }
0x4a: {  	v12 =	vmul.f32 v13, v12;
	_ =	sdelay $0x1  }
0x4b: {  	v12 =	vmul.f32 v12, v13;
	_ =	sdelay $0x1  }
0x4c: {  	v12 =	vsub.f32 $1.500000000e+00, v12  }
0x4d: {  	v63 =	vmov s19  }
0x4e: {  	v11 =	vsub.f32 v11, v63;
	v8 =	vsub.f32 v8, v63;
	v12 =	vmul.f32 v12, v13  }
0x4f: {  	v10 =	vsub.f32 v10, v63;
	v9 =	vsub.f32 v9, v63  }
0x50: {  	v8 =	vmul.f32 v12, v8;
	v11 =	vmul.f32 v12, v11  }
0x51: {  	v13 =	vmul.f32 v12, v9;
	v12 =	vmul.f32 v12, v10  }
0x52: {  	v9 =	vmul.f32 v8, v0;
	v11 =	vmul.f32 v11, v3  }
0x53: {  	s19 =	simm.s32 $0x100;
	v10 =	vmul.f32 v13, v1;
	v8 =	vmul.f32 v12, v2  }
.LBB2_3:
0x54: {  	p0 =	sne.s32 s19, $0x1FF00;
	v9 =	vadd.f32 v9, v4;
	v11 =	vadd.f32 v11, v7;
	s20 =	smov.u32 s19;
	s19 =	sadd.s32 $0x100, s19  }
0x55: {  	v10 =	vadd.f32 v10, v5;
	v8 =	vadd.f32 v8, v6  }
0x56: {  	[tilespmem:s18+$0x230] =	vst v11  }
0x57: {  	s20 =	sshra.s32 s20, $0x2;
	[tilespmem:s18+$0x200] =	vst v9  }
0x58: {  	v9 =	vld [tilespmem:s20+$0x200];
	[tilespmem:s18+$0x210] =	vst v10  }
0x59: {  	v10 =	vld [tilespmem:s20+$0x210];
	[tilespmem:s18+$0x220] =	vst v8;
	s18 =	smov.u32 s20  }
0x5a: {  	v8 =	vld [tilespmem:s18+$0x220];
	_ =	sdelay $0x1  }
0x5b: {  	v11 =	vld [tilespmem:s18+$0x230]  }
0x5c: {  	v12 =	vmul.f32 v9, v9  }
0x5d: {  	v13 =	vadd.f32 v10, v9;
	v14 =	vmul.f32 v10, v10  }
0x5e: {  	v15 =	vmul.f32 v8, v8  }
0x5f: {  	v13 =	vadd.f32 v8, v13;
	v12 =	vadd.f32 v14, v12  }
0x60: {  	v14 =	vmul.f32 v11, v11  }
0x61: {  	v13 =	vadd.f32 v11, v13;
	v12 =	vadd.f32 v15, v12;
	_ =	sdelay $0x1  }
0x62: {  	v12 =	vadd.f32 v14, v12;
	(xrf2) =	vadd.scan.msk.f32 $0xffff, v13;
	_ =	sdelay $0x2  }
0x63: {  	(xrf2) =	vadd.scan.msk.f32 $0xffff, v12;
	_ =	sdelay $0x6  }
0x64: {  	v12, _, _ =	vpop (xrf2)  }
0x65: {  	(v2sf) =	vpush v12, $0xF;
	_ =	sdelay $0x1  }
0x66: {  	v12, _, _ =	vpop (xrf2)  }
0x67: {  	(v2sf) =	vpush v12, $0xF;
	_ =	sdelay $0xb  }
0x68: {  	s20 =	spop (v2sf)  }
0x69: {  	s20 =	smul.f32 $1.562500000e-02, s20;
	_ =	sdelay $0x1  }
0x6a: {  	s21 =	smul.f32 s20, s20;
	s22 =	spop (v2sf)  }
0x6b: {  	s22 =	smul.f32 $1.562500000e-02, s22;
	_ =	sdelay $0x1  }
0x6c: {  	s21 =	ssub.f32 s22, s21;
	_ =	sdelay $0x1  }
0x6d: {  	s21 =	sadd.f32 $9.999999740e-06, s21;
	_ =	sdelay $0x1  }
0x6e: {  	v12 =	vmov s21  }
0x6f: {  	v13 =	vshrl.u32 v12, $0x1;
	v12 =	vmul.f32 $5.000000000e-01, v12  }
0x70: {  	v13 =	vsub.s32 $0x5F3759DF, v13  }
0x71: {  	v14 =	vmul.f32 v13, v12;
	_ =	sdelay $0x1  }
0x72: {  	v14 =	vmul.f32 v13, v14;
	_ =	sdelay $0x1  }
0x73: {  	v14 =	vsub.f32 $1.500000000e+00, v14;
	_ =	sdelay $0x1  }
0x74: {  	v13 =	vmul.f32 v13, v14;
	_ =	sdelay $0x1  }
0x75: {  	v14 =	vmul.f32 v13, v12;
	_ =	sdelay $0x1  }
0x76: {  	v14 =	vmul.f32 v14, v13;
	_ =	sdelay $0x1  }
0x77: {  	v14 =	vsub.f32 $1.500000000e+00, v14;
	_ =	sdelay $0x1  }
0x78: {  	v13 =	vmul.f32 v14, v13;
	_ =	sdelay $0x1  }
0x79: {  	v12 =	vmul.f32 v13, v12;
	_ =	sdelay $0x1  }
0x7a: {  	v14 =	vmov s20;
	v12 =	vmul.f32 v12, v13  }
0x7b: {  	v8 =	vsub.f32 v8, v14;
	v11 =	vsub.f32 v11, v14  }
0x7c: {  	v9 =	vsub.f32 v9, v14;
	v12 =	vsub.f32 $1.500000000e+00, v12  }
0x7d: {  	v10 =	vsub.f32 v10, v14  }
0x7e: {  	v12 =	vmul.f32 v12, v13  }
.Ltmp0:
0x7f: {  	(pc) =	sbr.rel @p0 .LBB2_3-.Ltmp0, $4  }
0x80: {  	v9 =	vmul.f32 v12, v9;
	v11 =	vmul.f32 v12, v11  }
0x81: {  	v10 =	vmul.f32 v12, v10;
	v8 =	vmul.f32 v12, v8  }
0x82: {  	v9 =	vmul.f32 v9, v0;
	v11 =	vmul.f32 v11, v3  }
0x83: {  	v10 =	vmul.f32 v10, v1;
	v8 =	vmul.f32 v8, v2  }
0x84: {  	v11 =	vadd.f32 v11, v7  }
0x85: {  	v9 =	vadd.f32 v9, v4  }
0x86: {  	v10 =	vadd.f32 v10, v5;
	[tilespmem:s18+$0x230] =	vst v11  }
0x87: {  	s16 =	sadd.s32 $0x1, s16;
	v8 =	vadd.f32 v8, v6;
	[tilespmem:s18+$0x200] =	vst v9  }
0x88: {  	s17 =	sshll.u32 s17, $0x3;
	p0 =	sne.s32 s16, $0x32;
	[tilespmem:s18+$0x210] =	vst v10  }
.Ltmp1:
0x89: {  	s17 =	sadd.s32 s3, s17;
	[tilespmem:s18+$0x220] =	vst v8;
	(pc) =	sbr.rel @p0 .LBB2_2-.Ltmp1, $4  }
0x8a: {  	[hbm4b:s17+s5] =	stream.linear.scatter [tilespmem:s13], [sflag:$0x2], $0x8000, $0x38;
	[tilespmem:$0x8280] =	vst v63  }
0x8b: {  	_ =	swait.ge [sflag:s11], $0x8000  }
0x8c: {  	[sflag:s11] =	ssyncset.done $0x0  }
0x8d: {  	[sflag:s11] =	ssyncadd.s32 $0xFFFF8000  }
0x8e: {  	s15 =	sadd.s32 $0x1, s15  }
0x8f: {  	p0 =	sne.s32 s15, s9  }
.Ltmp2:
0x90: {  	_ = 	snop;
	(pc) =	sbr.rel @p0 .LBB2_1-.Ltmp2, $1  }
0x91: {  	_ =	sdelay $0x3  }
0x92: {  	_ =	sfence.sel $0x180000  }
0x93: {  	[bflag:$0x0] =	sbarrier.arrive $0xFFFF  }
0x94: {  	p0 =	sne.s32 s4, $0x0;
	_ =	strace $0x90000047  }
0x95: {  	s0 =	sadd.s32 @!p0 $0x100000, s0;
	[bflag:$0x2] =	sbarrier.arrive $0xFFFF  }
0x96: {  	[sflag:s0] =	ssyncadd.tile.s32 @!p0 $0x1;
	_ =	shalt  }
.Lfunc_end2:
_tile_overlayer_lowered:
.L_overlay_start_2:
0x97: {  	(tag) =	ssettag $0x2  }
0x98: {  	s0 =	rddreg [dreg:$0x0];
	s2 =	stileid.u32  }
0x99: {  	s1 =	rddreg [dreg:$0x1];
	p0 =	sne.s32 s2, $0x0  }
0x9a: {  	s3 =	rddreg [dreg:$0x2];
	[bflag:$0x3] =	sbarrier.arrive $0xFFFF;
	s2 =	simm.s32 @!p0 $0x1C02  }
0x9b: {  	[timem:s3], [sflag:s2] =	dma.local @!p0 [hbm:s0], s1  }
0x9c: {  	s0 =	simm.s32 @!p0 $0x2  }
0x9d: {  	_ =	swait.ge @!p0 [sflag:s0], s1  }
0x9e: {  	s1 =	ssub.s32 @!p0 $0x0, s1;
	[sflag:s0] =	ssyncset.done @!p0 $0x0  }
0x9f: {  	[sflag:s0] =	ssyncadd.s32 @!p0 s1  }
0xa0: {  	[bflag:$0x3] =	sbarrier.arrive $0xFFFF  }
0xa1: {  	_ =	shalt  }

// kernel: sparse-core-data-format-call.cloned.1.call-start
scs
called_computation_lowered:
.L_overlay_start_0:
0x0: {  	s2 =	sld [smem:$0x3FD9]  }
0x1: {  	s3 =	sld [smem:$0x3FFE];
	_ =	sdelay $0x1  }
0x2: {  	s1 =	srdreg.scid  }
0x3: {  	s0 =	sand.u32 $0x1, s1  }
0x4: {  	s18 =	sshll.u32 s0, $0xA;
	s2 =	sadd.s32 s3, s2  }
0x5: {  	s2 =	sadd.s32 s2, s18  }
0x6: {  	[smem:$0x3FC4] =	sst s2  }
0x7: {  	_ = 	snop  }
0x8: {  	s2 =	sld [smem:$0x3FD0];
	(tm) =	ssettm $0x1  }
0x9: {  	s19 =	sld [smem:$0x3FFB];
	_ =	sdelay $0x3  }
0xa: {  	_ =	strace s19  }
0xb: {  	s3 =	sld [smem:$0x3FFC];
	_ =	sdelay $0x3  }
0xc: {  	_ =	strace s3  }
0xd: {  	s3 =	sld [smem:$0x3FFD];
	_ =	sdelay $0x3  }
0xe: {  	_ =	strace s3  }
0xf: {  	_ =	strace $0x8FFFFFFF  }
0x10: {  	s20 =	sld [smem:$0x3FDB];
	_ =	sdelay $0x1  }
0x11: {  	s4 =	simm.s32 $_scs_section_size  }
0x12: {  	s5 =	simm.s32 $_size__tile_overlayer_lowered;
	s6 =	simm.s32 $_tile_overlayer_lowered  }
0x13: {  	s23 =	simm.s32 $0x1BFF;
	s22 =	sshll.u32 s6, $0x1;
	s3 =	sadd.s32 s4, s20  }
0x14: {  	s7 =	simm.s32 $0x0;
	s21 =	sshll.u32 s5, $0x1;
	s5 =	sadd.s32 s22, s3  }
0x15: {  	[timem:s7], [sflag:s23] =	dma.local [hbm:s5], s21  }
0x16: {  	_ =	swait.ge [sflag:s23], s21  }
0x17: {  	s4 =	ssub.s32 $0x0, s21;
	[sflag:s23] =	ssyncset.done $0x0  }
0x18: {  	[sflag:s23] =	ssyncadd.s32 s4;
	_ =	sdelay $0x1  }
0x19: {  	s24 =	simm.s32 $0x1B8B  }
0x1a: {  	_ =	swait.ge [sflag:s24], $0x1  }
0x1b: {  	[sflag:s24] =	ssyncset.done $0x0  }
0x1c: {  	s26 =	simm.s32 $0x1B8E;
	s25 =	sld [smem:$0x3FFE];
	[sflag:s24] =	ssyncadd.s32 $0xFFFFFFFF  }
0x1d: {  	s27 =	simm.s32 $execute0_lowered;
	[smem:$0x3FD2] =	sst s26  }
0x1e: {  	s5 =	sshll.u32 s27, $0x1;
	_ =	strace $0x80000049;
	[dreg:$0x1] =	wrdreg $0xFFFFFFFF  }
0x1f: {  	s28 =	simm.s32 $_size_execute0_lowered;
	s3 =	sadd.s32 s3, s5;
	[dreg:$0x0] =	wrdreg $0x0  }
0x20: {  	s5 =	sshll.u32 s28, $0x1;
	[dreg:$0x2] =	wrdreg s3  }
0x21: {  	[dreg:$0x3] =	wrdreg s5  }
0x22: {  	[dreg:$0x4] =	wrdreg $0xC0  }
0x23: {  	_ =	task [dreg:s7], $0x5FFFF  }
0x24: {  	[dreg:$0x1] =	wrdreg $0xFFFFFFFF  }
0x25: {  	[dreg:$0x0] =	wrdreg $0x60  }
0x26: {  	[dreg:$0x2] =	wrdreg s25  }
0x27: {  	[dreg:$0x3] =	wrdreg s2  }
0x28: {  	[dreg:$0x4] =	wrdreg $0x9  }
0x29: {  	_ =	task.clear_ibuf [dreg:s7], $0x5FFFF;
	_ =	strace $0x90000049  }
0x2a: {  	s29 =	simm.s32 $0x9;
	_ =	strace $0x8000004B  }
0x2b: {  	_ =	swait.ge [sflag:s29], $0x1  }
0x2c: {  	[sflag:s29] =	ssyncadd.s32 $0xFFFFFFFF  }
0x2d: {  	_ =	strace $0x9000004B  }
0x2e: {  	_ =	sfence  }
0x2f: {  	s30 =	sld [smem:$0x0];
	_ =	sdelay $0x2  }
0x30: {  	s31 =	sshll.u32 s1, $0xD;
	s1 =	sshrl.u32 s1, $0x2  }
0x31: {  	s3 =	sand.u32 $0x4000, s31;
	s1 =	sadd.s32 s1, s30  }
0x32: {  	s0 =	sor.u32 s3, s0;
	s1 =	sshll.u32 s1, $0x11  }
0x33: {  	s0 =	sor.u32 s1, s0  }
0x34: {  	s0 =	sadd.s32 $0x8F2B, s0  }
0x35: {  	[sflag:s0] =	ssyncadd.remote.s32 $0x1  }
0x36: {  	_ =	sfence.sel $0xFFFF  }
0x37: {  	[dreg:$0x0] =	wrdreg $0xFFFFFFFF;
	(pc) =	sbr.abs _section_cstart, $3  }
0x38: {  	[dreg:$0x1] =	wrdreg $0xFFFFFFFF  }
0x39: {  	_ =	task.clear_ibuf [dreg:s7], $0x2FFFF;
	_ =	strace $0x9FFFFFFF  }
0x3a: {  	(tm) =	ssettm $0x7FFFFFFF  }
0x3b: {  	_ =	shalt  }
tec
execute0_lowered:
.L_overlay_start_1:
0x0: {  	(tag) =	ssettag $0x1  }
0x1: {  	s0 =	srdreg.scid  }
0x2: {  	s1 =	sshll.u32 s0, $0x4  }
0x3: {  	s0 =	stileid.u32;
	s1 =	sand.u32 $0x10, s1  }
0x4: {  	s1 =	sor.u32 s0, s1  }
0x5: {  	s6 =	rddreg [dreg:$0x0];
	s4 =	simm.s32 $0x1;
	s2 =	sshll.u32 s1, $0x7  }
0x6: {  	s7 =	simm.s32 $0x2;
	s12 =	simm.s32 $0x0;
	s1 =	ssub.s32 $0x1000, s2  }
0x7: {  	s8 =	simm.s32 $0x8000;
	s13 =	simm.s32 $0x0;
	s3 =	sand.u32 $0xF80, s1  }
0x8: {  	s9 =	simm.s32 $0x0;
	s5 =	sshrl.u32 s1, $0xC;
	p0 =	sne.s32 s3, $0x0  }
.Ltmp0:
0x9: {  	s1 =	rddreg [dreg:$0x2];
	s4 =	simm.s32 @!p0 $0x0;
	(pc) =	sbr.rel .LBB1_1-.Ltmp0, $4  }
0xa: {  	s11 =	simm.s32 $0x0;
	s3 =	rddreg [dreg:$0x1];
	s5 =	sadd.s32 s4, s5  }
0xb: {  	_ =	strace $0x8000004A;
	s4 =	simm.s32 $0x1;
	s5 =	smul.u32 $0xC8, s5  }
0xc: {  	s6 =	sadd.s32 $0xA00, s6;
	s10 =	smov.u32 s2;
	[sflag:s4] =	ssyncpa.u1 $0x0  }
0xd: {  	p0 =	por $0x0, $0x0;
	[sflag:s7] =	ssyncpa.u1 $0x0;
	s7 =	sor.u32 $0x1, s5  }
.LBB1_4:
0xe: {  	s16 =	sshll.u32 s13, $0x3;
	s17 =	sand.u32 $0x78, s13  }
0xf: {  	s30 =	sand.u32 $0x7E00, s13;
	s12 =	sshll.u32 s12, $0xF;
	s16 =	sand.u32 $0xC00, s16  }
0x10: {  	[tilespmem:s15+$0x810 ss:$0x81] =	vst.msk $0xffff, v2;
	s31 =	sand.u32 $0x7, s13;
	s16 =	sor.u32 s17, s16;
	s17 =	sadd.s32 s3, s30  }
0x11: {  	[tilespmem:s15+$0x1020 ss:$0x81] =	vst.msk $0xffff, v0;
	s13 =	sshll.u32 s31, $0x12;
	s12 =	sadd.s32 s12, s17;
	s16 =	sshrl.u32 s16, $0x3  }
0x12: {  	[tilespmem:s15+$0x0 ss:$0x81] =	vst.msk $0xffff, v1;
	s13 =	sor.u32 $0x400, s13;
	s12 =	sadd.s32 s16, s12  }
0x13: {  	[hbm4b:s12+s13] =	stream.strided.scatter [tilespmem:s14], [sflag:$0x2], $0x2000, s8, s13, $0x20;
	[tilespmem:$0x8080] =	vst v63  }
.LBB1_5:
0x14: {  	s14 =	sadd.s32 $0x1, s9  }
0x15: {  	s12 =	sadd.s32 $0x1000, s10;
	s16 =	smov.u32 s10;
	p2 =	sgt.s32 s14, $0xC7  }
0x16: {  	s16 =	smov.u32 @p2 s12  }
0x17: {  	s14 =	simm.s32 @p2 $0x0;
	p2 =	sgt.s32 s16, $0xFFF  }
0x18: {  	s16 =	smov.u32 @p2 s2;
	p2 =	sne.s32 s11, s7  }
.Ltmp1:
0x19: {  	p1 =	slt.u32 s11, $0x2;
	(pc) =	sbr.rel @!p2 .LBB1_6-.Ltmp1, $4  }
0x1a: {  	s15 =	simm.s32 @!p1 $0x2  }
0x1b: {  	s13 =	smov.u32 s10;
	p0 =	por !p0, !p0;
	_ =	swait.ge @!p1 [sflag:s15], $0x2000  }
0x1c: {  	s12 =	smov.u32 s9;
	[sflag:s15] =	ssyncset.done @!p1 $0x0;
	s9 =	smov.u32 s14  }
0x1d: {  	s11 =	sadd.s32 $0x1, s11;
	[sflag:s15] =	ssyncadd.s32 @!p1 $0xFFFFE000;
	s10 =	smov.u32 s16  }
.LBB1_1:
0x1e: {  	p1 =	sge.u32 s11, s5  }
0x1f: {  	s14 =	sand.u32 @!p1 $0x1FFFFFF, s9  }
0x20: {  	s15 =	smulhi.u32 @!p1 $0x147AE15, s14;
	_ =	sdelay $0x1  }
0x21: {  	s15 =	smul.u32 @!p1 $0xC8, s15  }
0x22: {  	s16 =	sxor.u32 @!p1 $0xFFFFFFFF, s11;
	s17 =	smul.u32 @!p1 $0xC80, s10  }
0x23: {  	s31 =	sadd.s32 $0xFFFFFFFF, s11;
	s16 =	sshll.u32 @!p1 s16, $0xD;
	s14 =	ssub.s32 @!p1 s14, s15  }
0x24: {  	s15 =	sand.u32 @!p1 $0x2000, s16;
	s16 =	sadd.s32 @!p1 s6, s17;
	s14 =	sshll.u32 @!p1 s14, $0x4  }
0x25: {  	s17 =	simm.s32 @!p1 $0x6400;
	s14 =	sadd.s32 @!p1 s14, s16;
	s16 =	simm.s32 @!p1 $0x40  }
0x26: {  	[tilespmem:s15], [sflag:$0x1] =	stream.strided.gather @!p1 [hbm4b:s14+s16], $0x2000, s17, s16, $0x38;
	[tilespmem:$0x8080] =	vst v63  }
0x27: {  	p1 =	sge.u32 s31, s5  }
.Ltmp2:
0x28: {  	_ = 	snop;
	(pc) =	sbr.rel @p1 .LBB1_5-.Ltmp2, $1  }
0x29: {  	_ =	sdelay $0x3  }
0x2a: {  	s14 =	simm.s32 $0x1  }
0x2b: {  	_ =	swait.ge [sflag:s4], $0x2000;
	s14 =	simm.s32 @!p0 $0x0  }
0x2c: {  	[sflag:s4] =	ssyncset.done $0x0;
	s15 =	sshll.u32 s14, $0xD  }
0x2d: {  	[sflag:s4] =	ssyncadd.s32 $0xFFFFE000;
	s18 =	sor.u32 $0x20, s15  }
0x2e: {  	s14 =	smul.u32 $0x8100, s14;
	v3 =	vld [tilespmem:s18+$0x10]  }
0x2f: {  	s30 =	sand.u32 $0x1, s11;
	v2 =	vld [tilespmem:s18+$0xFFFFFFF0]  }
0x30: {  	s15 =	smul.u32 $0x8100, s30;
	s14 =	sshrl.u32 s14, $0x2;
	v0 =	vld [tilespmem:s18+$0x0]  }
0x31: {  	v1 =	vld [tilespmem:s18+$0xFFFFFFE0];
	s16 =	sor.u32 $0x4000, s14  }
0x32: {  	s31 =	sshrl.u32 s15, $0x2;
	s15 =	sadd.s32 $0x0, s16  }
0x33: {  	s17 =	simm.s32 $0x4;
	s18 =	sadd.s32 $0x40, s18;
	s14 =	sor.u32 $0x4000, s31;
	[tilespmem:s15+$0x1830 ss:$0x81] =	vst.msk $0xffff, v3  }
.LBB1_3:
0x34: {  	v3 =	vld [tilespmem:s18+$0x10];
	p1 =	sne.s32 s17, $0x1FC;
	[tilespmem:s15+$0x810 ss:$0x81] =	vst.msk $0xffff, v2;
	s19 =	smov.u32 s17;
	s17 =	sadd.s32 $0x4, s17  }
.Ltmp3:
0x35: {  	v2 =	vld [tilespmem:s18+$0xFFFFFFF0];
	[tilespmem:s15+$0x1020 ss:$0x81] =	vst.msk $0xffff, v0;
	(pc) =	sbr.rel @p1 .LBB1_3-.Ltmp3, $4  }
0x36: {  	v0 =	vld [tilespmem:s18+$0x0];
	[tilespmem:s15+$0x0 ss:$0x81] =	vst.msk $0xffff, v1  }
0x37: {  	s15 =	sshra.s32 s19, $0x2;
	v1 =	vld [tilespmem:s18+$0xFFFFFFE0]  }
0x38: {  	s15 =	sadd.s32 s15, s16  }
0x39: {  	s18 =	sadd.s32 $0x40, s18;
	[tilespmem:s15+$0x1830 ss:$0x81] =	vst.msk $0xffff, v3  }
.Ltmp4:
0x3a: {  	_ = 	snop;
	(pc) =	sbr.rel .LBB1_4-.Ltmp4, $1  }
0x3b: {  	_ =	sdelay $0x3  }
.LBB1_6:
0x3c: {  	_ =	sfence.sel $0x180000  }
0x3d: {  	s2 =	simm.s32 $0x1;
	[bflag:$0x0] =	sbarrier.arrive $0xFFFF  }
0x3e: {  	s31 =	simm.s32 $0x2;
	[sflag:s2] =	ssyncpa.u1 $0x1  }
0x3f: {  	[sflag:s31] =	ssyncpa.u1 $0x1  }
0x40: {  	p0 =	sne.s32 s0, $0x0;
	_ =	strace $0x9000004A  }
0x41: {  	s0 =	sadd.s32 @!p0 $0x100000, s1;
	[bflag:$0x2] =	sbarrier.arrive $0xFFFF  }
0x42: {  	[sflag:s0] =	ssyncadd.tile.s32 @!p0 $0x1;
	_ =	shalt  }
.Lfunc_end1:
_tile_overlayer_lowered:
.L_overlay_start_2:
0x43: {  	(tag) =	ssettag $0x2  }
0x44: {  	s0 =	rddreg [dreg:$0x0];
	s2 =	stileid.u32  }
0x45: {  	s1 =	rddreg [dreg:$0x1];
	p0 =	sne.s32 s2, $0x0  }
0x46: {  	s3 =	rddreg [dreg:$0x2];
	[bflag:$0x3] =	sbarrier.arrive $0xFFFF;
	s2 =	simm.s32 @!p0 $0x1C01  }
0x47: {  	[timem:s3], [sflag:s2] =	dma.local @!p0 [hbm:s0], s1  }
0x48: {  	s0 =	simm.s32 @!p0 $0x1  }
0x49: {  	_ =	swait.ge @!p0 [sflag:s0], s1  }
0x4a: {  	s1 =	ssub.s32 @!p0 $0x0, s1;
	[sflag:s0] =	ssyncset.done @!p0 $0x0  }
0x4b: {  	[sflag:s0] =	ssyncadd.s32 @!p0 s1  }
0x4c: {  	[bflag:$0x3] =	sbarrier.arrive $0xFFFF  }
0x4d: {  	_ =	shalt  }

</sc_bundles>
